<compile_context>
chip_gen: v7x
topology: tpu7x:2x2x1
jax: 0.10.2.dev20260603
libtpu: 0.0.44.dev20260713+nightly
codegen_flags: <defaults>
</compile_context>

<pallas_src>
import jax
import jax.numpy as jnp
from jax import lax
from jax.experimental import pallas as pl
from jax.experimental.pallas import tpu as pltpu
from jax.experimental.pallas import tpu_sc as plsc

F = 128
B = 4096

NC = 2
NS = 16
NW = NC * NS
BPW = B // NW
L = 16
GROUPS = BPW // L
CHUNKS = F // L


def _body(user_hbm, item_hbm, bi_hbm, gu_hbm, gi_hbm,
          xui_out, beta_out, gu_out, gi_out,
          idxu_v, idxi_v, guv, giv, biv, xuiv, pbuf,
          sem_u, sem_i, sem_b, sem_uo, sem_io):
    wid = lax.axis_index("s") * NC + lax.axis_index("c")
    base = wid * BPW

    cp_ju = pltpu.async_copy(user_hbm.at[pl.ds(base, BPW)], idxu_v, sem_u)
    cp_ji = pltpu.async_copy(item_hbm.at[pl.ds(base, BPW)], idxi_v, sem_i)
    cp_ju.wait()
    cp_u = pltpu.async_copy(gu_hbm.at[idxu_v], guv, sem_u)
    cp_ji.wait()
    cp_b = pltpu.async_copy(bi_hbm.at[idxi_v], biv, sem_b)
    cp_i = pltpu.async_copy(gi_hbm.at[idxi_v], giv, sem_i)

    cp_u.wait()
    cp_uo = pltpu.async_copy(guv, gu_out.at[pl.ds(base, BPW)], sem_uo)
    cp_i.wait()
    cp_io = pltpu.async_copy(giv, gi_out.at[pl.ds(base, BPW)], sem_io)
    cp_b.wait()
    cp_bo = pltpu.async_copy(biv, beta_out.at[pl.ds(base, BPW)], sem_b)

    def row(r, carry):
        def chunk(c, p):
            return p + guv[r, pl.ds(c * L, L)] * giv[r, pl.ds(c * L, L)]
        pbuf[r, :] = lax.fori_loop(
            1, CHUNKS, chunk, guv[r, pl.ds(0, L)] * giv[r, pl.ds(0, L)])
        return carry

    lax.fori_loop(0, BPW, row, 0)

    lane = lax.iota(jnp.int32, L)

    def group(g, carry):
        rows = g * L + lane
        out = biv[pl.ds(g * L, L)]
        for j in range(L):
            col = jnp.full((L,), j, dtype=jnp.int32)
            out = out + plsc.load_gather(pbuf, [rows, col])
        xuiv[pl.ds(g * L, L)] = out
        return carry

    lax.fori_loop(0, GROUPS, group, 0)

    pltpu.sync_copy(xuiv, xui_out.at[pl.ds(base, BPW)])
    cp_uo.wait()
    cp_io.wait()
    cp_bo.wait()


@jax.jit
def _run(user, item, Bi, Gu, Gi):
    mesh = plsc.VectorSubcoreMesh(
        core_axis_name="c", subcore_axis_name="s",
        num_cores=NC, num_subcores=NS)
    out_type = (
        jax.ShapeDtypeStruct((B,), jnp.float32),
        jax.ShapeDtypeStruct((B,), jnp.float32),
        jax.ShapeDtypeStruct((B, F), jnp.float32),
        jax.ShapeDtypeStruct((B, F), jnp.float32),
    )
    scratch = [
        pltpu.VMEM((BPW,), jnp.int32),
        pltpu.VMEM((BPW,), jnp.int32),
        pltpu.VMEM((BPW, F), jnp.float32),
        pltpu.VMEM((BPW, F), jnp.float32),
        pltpu.VMEM((BPW,), jnp.float32),
        pltpu.VMEM((BPW,), jnp.float32),
        pltpu.VMEM((BPW, L), jnp.float32),
        pltpu.SemaphoreType.DMA,
        pltpu.SemaphoreType.DMA,
        pltpu.SemaphoreType.DMA,
        pltpu.SemaphoreType.DMA,
        pltpu.SemaphoreType.DMA,
    ]
    f = pl.kernel(_body, out_type=out_type, mesh=mesh,
                  scratch_types=scratch,
                  compiler_params=pltpu.CompilerParams(
                      needs_layout_passes=False))
    return f(user, item, Bi, Gu, Gi)


def kernel(user, item, Bi, Gu, Gi):
    xui, beta_i, gamma_u, gamma_i = _run(
        user.astype(jnp.int32), item.astype(jnp.int32), Bi, Gu, Gi)
    return (xui, beta_i, gamma_u, gamma_i)

# --- scband reference (transcript-rebuilt; emitter-appended) ---
"""Pipeline reference for scband-generator-24464133718083 (READ-ONLY COPY).

The authoritative reference and input builder live on the scoring server;
editing this copy changes nothing except your own understanding.
"""

import jax, jax.numpy as jnp
import numpy as np

NUM_USERS = 100000
NUM_ITEMS = 100000
FACTORS = 128
BATCH = 4096


def setup_inputs(seed: int = 0) -> dict:
    key = jax.random.key(seed)
    k_user, k_item, k_gu, k_gi = jax.random.split(key, 4)
    user = jax.random.randint(k_user, (BATCH,), 0, NUM_USERS, dtype=jnp.int64 if jax.config.jax_enable_x64 else jnp.int32)
    item = jax.random.randint(k_item, (BATCH,), 0, NUM_ITEMS, dtype=jnp.int64 if jax.config.jax_enable_x64 else jnp.int32)
    # Learned parameters: Bi initialized to zeros, Gu/Gi uniform(-0.05, 0.05) per tf.random_uniform_initializer
    Bi = jnp.zeros((NUM_ITEMS,), dtype=jnp.float32)
    Gu = jax.random.uniform(k_gu, (NUM_USERS, FACTORS), minval=-0.05, maxval=0.05, dtype=jnp.float32)
    Gi = jax.random.uniform(k_gi, (NUM_ITEMS, FACTORS), minval=-0.05, maxval=0.05, dtype=jnp.float32)
    return {"user": user, "item": item, "Bi": Bi, "Gu": Gu, "Gi": Gi}


def reference(user, item, Bi, Gu, Gi):
    # beta_i = squeeze(embedding_lookup(Bi, item))
    beta_i = jnp.squeeze(jnp.take(Bi, item, axis=0))
    # gamma_u = squeeze(embedding_lookup(Gu, user))
    gamma_u = jnp.squeeze(jnp.take(Gu, user, axis=0))
    # gamma_i = squeeze(embedding_lookup(Gi, item))
    gamma_i = jnp.squeeze(jnp.take(Gi, item, axis=0))
    xui = beta_i + jnp.sum(gamma_u * gamma_i, axis=1)
    return (xui, beta_i, gamma_u, gamma_i)

if __name__ == "__main__":
    import jax
    _d = setup_inputs()
    print(jax.jit(kernel)(*tuple(_d.values())))

</pallas_src>

<mosaic_0001>
#map = affine_map<(d0, d1) -> (0)>
#map1 = affine_map<(d0, d1) -> (0, 0)>
module attributes {stable_mosaic.version = 14 : i64} {
  func.func @_body(%arg0: i32, %arg1: i32, %arg2: memref<4096xi32, #tpu.memory_space<hbm>>, %arg3: memref<4096xi32, #tpu.memory_space<hbm>>, %arg4: memref<100000xf32, #tpu.memory_space<hbm>>, %arg5: memref<100000x128xf32, #tpu.memory_space<hbm>>, %arg6: memref<100000x128xf32, #tpu.memory_space<hbm>>, %arg7: memref<4096xf32, #tpu.memory_space<hbm>>, %arg8: memref<4096xf32, #tpu.memory_space<hbm>>, %arg9: memref<4096x128xf32, #tpu.memory_space<hbm>>, %arg10: memref<4096x128xf32, #tpu.memory_space<hbm>>, %arg11: memref<128xi32, #tpu.memory_space<vmem>>, %arg12: memref<128xi32, #tpu.memory_space<vmem>>, %arg13: memref<128x128xf32, #tpu.memory_space<vmem>>, %arg14: memref<128x128xf32, #tpu.memory_space<vmem>>, %arg15: memref<128xf32, #tpu.memory_space<vmem>>, %arg16: memref<128xf32, #tpu.memory_space<vmem>>, %arg17: memref<128x16xf32, #tpu.memory_space<vmem>>, %arg18: memref<!tpu.dma_semaphore, #tpu.memory_space<semaphore_mem>>, %arg19: memref<!tpu.dma_semaphore, #tpu.memory_space<semaphore_mem>>, %arg20: memref<!tpu.dma_semaphore, #tpu.memory_space<semaphore_mem>>, %arg21: memref<!tpu.dma_semaphore, #tpu.memory_space<semaphore_mem>>, %arg22: memref<!tpu.dma_semaphore, #tpu.memory_space<semaphore_mem>>) attributes {dimension_semantics = [#tpu.dimension_semantics<core_parallel>, #tpu.dimension_semantics<subcore_parallel>], iteration_bounds = array<i64: 2, 16>, scalar_prefetch = 0 : i64, scratch_operands = 12 : i64, tpu.core_type = #tpu.core_type<sc_vector_subcore>, window_params = [{transform_indices = #map}, {transform_indices = #map}, {transform_indices = #map}, {transform_indices = #map1}, {transform_indices = #map1}, {transform_indices = #map}, {transform_indices = #map}, {transform_indices = #map1}, {transform_indices = #map1}]} {
    %mul3A = arith.constant 2 : i32
    %mul3A_0 = arith.muli %arg1, %mul3A : i32
    %add3A = arith.addi %mul3A_0, %arg0 : i32
    %mul3A_1 = arith.constant 128 : i32
    %mul3A_2 = arith.muli %add3A, %mul3A_1 : i32
    %dma_start3A = tpu.memref_slice %arg2[%mul3A_2] : memref<4096xi32, #tpu.memory_space<hbm>> -> memref<128xi32, #tpu.memory_space<hbm>>
    %dma_start3A_3 = tpu.memref_slice %arg2[%mul3A_2] : memref<4096xi32, #tpu.memory_space<hbm>> -> memref<128xi32, #tpu.memory_space<hbm>>
    tpu.enqueue_dma source(%dma_start3A_3 : memref<128xi32, #tpu.memory_space<hbm>>) target(%arg11 : memref<128xi32, #tpu.memory_space<vmem>>) target_semaphore(%arg18 : memref<!tpu.dma_semaphore, #tpu.memory_space<semaphore_mem>>)
    %dma_start3A_4 = tpu.memref_slice %arg3[%mul3A_2] : memref<4096xi32, #tpu.memory_space<hbm>> -> memref<128xi32, #tpu.memory_space<hbm>>
    %dma_start3A_5 = tpu.memref_slice %arg3[%mul3A_2] : memref<4096xi32, #tpu.memory_space<hbm>> -> memref<128xi32, #tpu.memory_space<hbm>>
    tpu.enqueue_dma source(%dma_start3A_5 : memref<128xi32, #tpu.memory_space<hbm>>) target(%arg12 : memref<128xi32, #tpu.memory_space<vmem>>) target_semaphore(%arg19 : memref<!tpu.dma_semaphore, #tpu.memory_space<semaphore_mem>>)
    %dma_wait3A = tpu.memref_slice %arg2[%mul3A_2] : memref<4096xi32, #tpu.memory_space<hbm>> -> memref<128xi32, #tpu.memory_space<hbm>>
    %dma_wait3A_6 = tpu.memref_slice %arg2[%mul3A_2] : memref<4096xi32, #tpu.memory_space<hbm>> -> memref<128xi32, #tpu.memory_space<hbm>>
    tpu.wait_dma2 semaphore(%arg18 : memref<!tpu.dma_semaphore, #tpu.memory_space<semaphore_mem>>) src(%dma_wait3A_6 : memref<128xi32, #tpu.memory_space<hbm>>) dst(%arg11 : memref<128xi32, #tpu.memory_space<vmem>>)
    %dma_start3A_7 = arith.constant 0 : i32
    %dma_start3A_8 = arith.constant 0 : i32
    %dma_start3A_9 = tpu.memref_slice %arg5[%dma_start3A_7, %dma_start3A_8] : memref<100000x128xf32, #tpu.memory_space<hbm>> -> memref<100000x128xf32, #tpu.memory_space<hbm>>
    tpu.enqueue_indirect_dma source(%dma_start3A_9 : memref<100000x128xf32, #tpu.memory_space<hbm>>) target(%arg13 : memref<128x128xf32, #tpu.memory_space<vmem>>) offsets(%arg11 : memref<128xi32, #tpu.memory_space<vmem>>) semaphore(%arg18 : memref<!tpu.dma_semaphore, #tpu.memory_space<semaphore_mem>>)
    %dma_wait3A_10 = tpu.memref_slice %arg3[%mul3A_2] : memref<4096xi32, #tpu.memory_space<hbm>> -> memref<128xi32, #tpu.memory_space<hbm>>
    %dma_wait3A_11 = tpu.memref_slice %arg3[%mul3A_2] : memref<4096xi32, #tpu.memory_space<hbm>> -> memref<128xi32, #tpu.memory_space<hbm>>
    tpu.wait_dma2 semaphore(%arg19 : memref<!tpu.dma_semaphore, #tpu.memory_space<semaphore_mem>>) src(%dma_wait3A_11 : memref<128xi32, #tpu.memory_space<hbm>>) dst(%arg12 : memref<128xi32, #tpu.memory_space<vmem>>)
    %dma_start3A_12 = arith.constant 0 : i32
    %dma_start3A_13 = tpu.memref_slice %arg4[%dma_start3A_12] : memref<100000xf32, #tpu.memory_space<hbm>> -> memref<100000xf32, #tpu.memory_space<hbm>>
    tpu.enqueue_indirect_dma source(%dma_start3A_13 : memref<100000xf32, #tpu.memory_space<hbm>>) target(%arg15 : memref<128xf32, #tpu.memory_space<vmem>>) offsets(%arg12 : memref<128xi32, #tpu.memory_space<vmem>>) semaphore(%arg20 : memref<!tpu.dma_semaphore, #tpu.memory_space<semaphore_mem>>)
    %dma_start3A_14 = arith.constant 0 : i32
    %dma_start3A_15 = arith.constant 0 : i32
    %dma_start3A_16 = tpu.memref_slice %arg6[%dma_start3A_14, %dma_start3A_15] : memref<100000x128xf32, #tpu.memory_space<hbm>> -> memref<100000x128xf32, #tpu.memory_space<hbm>>
    tpu.enqueue_indirect_dma source(%dma_start3A_16 : memref<100000x128xf32, #tpu.memory_space<hbm>>) target(%arg14 : memref<128x128xf32, #tpu.memory_space<vmem>>) offsets(%arg12 : memref<128xi32, #tpu.memory_space<vmem>>) semaphore(%arg19 : memref<!tpu.dma_semaphore, #tpu.memory_space<semaphore_mem>>)
    %dma_wait3A_17 = arith.constant 0 : i32
    %dma_wait3A_18 = arith.constant 0 : i32
    %dma_wait3A_19 = tpu.memref_slice %arg5[%dma_wait3A_17, %dma_wait3A_18] : memref<100000x128xf32, #tpu.memory_space<hbm>> -> memref<100000x128xf32, #tpu.memory_space<hbm>>
    tpu.wait_indirect_dma semaphore(%arg18 : memref<!tpu.dma_semaphore, #tpu.memory_space<semaphore_mem>>) src(%dma_wait3A_19 : memref<100000x128xf32, #tpu.memory_space<hbm>>) dst(%arg13 : memref<128x128xf32, #tpu.memory_space<vmem>>)
    %dma_start3A_20 = arith.constant 0 : i32
    %dma_start3A_21 = tpu.memref_slice %arg9[%mul3A_2, %dma_start3A_20] : memref<4096x128xf32, #tpu.memory_space<hbm>> -> memref<128x128xf32, #tpu.memory_space<hbm>>
    %dma_start3A_22 = arith.constant 0 : i32
    %dma_start3A_23 = tpu.memref_slice %arg9[%mul3A_2, %dma_start3A_22] : memref<4096x128xf32, #tpu.memory_space<hbm>> -> memref<128x128xf32, #tpu.memory_space<hbm>>
    tpu.enqueue_dma source(%arg13 : memref<128x128xf32, #tpu.memory_space<vmem>>) target(%dma_start3A_23 : memref<128x128xf32, #tpu.memory_space<hbm>>) target_semaphore(%arg21 : memref<!tpu.dma_semaphore, #tpu.memory_space<semaphore_mem>>)
    %dma_wait3A_24 = arith.constant 0 : i32
    %dma_wait3A_25 = arith.constant 0 : i32
    %dma_wait3A_26 = tpu.memref_slice %arg6[%dma_wait3A_24, %dma_wait3A_25] : memref<100000x128xf32, #tpu.memory_space<hbm>> -> memref<100000x128xf32, #tpu.memory_space<hbm>>
    tpu.wait_indirect_dma semaphore(%arg19 : memref<!tpu.dma_semaphore, #tpu.memory_space<semaphore_mem>>) src(%dma_wait3A_26 : memref<100000x128xf32, #tpu.memory_space<hbm>>) dst(%arg14 : memref<128x128xf32, #tpu.memory_space<vmem>>)
    %dma_start3A_27 = arith.constant 0 : i32
    %dma_start3A_28 = tpu.memref_slice %arg10[%mul3A_2, %dma_start3A_27] : memref<4096x128xf32, #tpu.memory_space<hbm>> -> memref<128x128xf32, #tpu.memory_space<hbm>>
    %dma_start3A_29 = arith.constant 0 : i32
    %dma_start3A_30 = tpu.memref_slice %arg10[%mul3A_2, %dma_start3A_29] : memref<4096x128xf32, #tpu.memory_space<hbm>> -> memref<128x128xf32, #tpu.memory_space<hbm>>
    tpu.enqueue_dma source(%arg14 : memref<128x128xf32, #tpu.memory_space<vmem>>) target(%dma_start3A_30 : memref<128x128xf32, #tpu.memory_space<hbm>>) target_semaphore(%arg22 : memref<!tpu.dma_semaphore, #tpu.memory_space<semaphore_mem>>)
    %dma_wait3A_31 = arith.constant 0 : i32
    %dma_wait3A_32 = tpu.memref_slice %arg4[%dma_wait3A_31] : memref<100000xf32, #tpu.memory_space<hbm>> -> memref<100000xf32, #tpu.memory_space<hbm>>
    tpu.wait_indirect_dma semaphore(%arg20 : memref<!tpu.dma_semaphore, #tpu.memory_space<semaphore_mem>>) src(%dma_wait3A_32 : memref<100000xf32, #tpu.memory_space<hbm>>) dst(%arg15 : memref<128xf32, #tpu.memory_space<vmem>>)
    %dma_start3A_33 = tpu.memref_slice %arg8[%mul3A_2] : memref<4096xf32, #tpu.memory_space<hbm>> -> memref<128xf32, #tpu.memory_space<hbm>>
    %dma_start3A_34 = tpu.memref_slice %arg8[%mul3A_2] : memref<4096xf32, #tpu.memory_space<hbm>> -> memref<128xf32, #tpu.memory_space<hbm>>
    tpu.enqueue_dma source(%arg15 : memref<128xf32, #tpu.memory_space<vmem>>) target(%dma_start3A_34 : memref<128xf32, #tpu.memory_space<hbm>>) target_semaphore(%arg20 : memref<!tpu.dma_semaphore, #tpu.memory_space<semaphore_mem>>)
    %scan3A = arith.constant 0 : i32
    %scan3A_35 = arith.constant 0 : i32
    %scan3A_36 = arith.constant 128 : i32
    %scan3A_37 = arith.addi %scan3A_35, %scan3A_36 : i32
    %scan3A_38 = arith.constant 1 : i32
    scf.for %scan3A_56 = %scan3A_35 to %scan3A_37 step %scan3A_38  : i32 {
      %get3A = arith.index_cast %scan3A_56 : i32 to index
      %get3A_57 = arith.constant 0 : index
      %get3A_58 = tpu.vector_load %arg13[%get3A, %get3A_57] {strides = array<i32>} : memref<128x128xf32, #tpu.memory_space<vmem>>, vector<16xf32>,
      %get3A_59 = arith.index_cast %scan3A_56 : i32 to index
      %get3A_60 = arith.constant 0 : index
      %get3A_61 = tpu.vector_load %arg14[%get3A_59, %get3A_60] {strides = array<i32>} : memref<128x128xf32, #tpu.memory_space<vmem>>, vector<16xf32>,
      %mul3A_62 = arith.mulf %get3A_58, %get3A_61 : vector<16xf32>
      %scan3A_63 = arith.constant 1 : i32
      %scan3A_64 = arith.constant 7 : i32
      %scan3A_65 = arith.addi %scan3A_63, %scan3A_64 : i32
      %scan3A_66 = arith.constant 1 : i32
      %scan3A_67 = scf.for %scan3A_71 = %scan3A_63 to %scan3A_65 step %scan3A_66 iter_args(%scan3A_72 = %mul3A_62) -> (vector<16xf32>)  : i32 {
        %mul3A_73 = arith.constant 16 : i32
        %mul3A_74 = arith.muli %scan3A_71, %mul3A_73 : i32
        %get3A_75 = arith.index_cast %scan3A_56 : i32 to index
        %get3A_76 = arith.index_cast %mul3A_74 : i32 to index
        %get3A_77 = tpu.vector_load %arg13[%get3A_75, %get3A_76] {strides = array<i32>} : memref<128x128xf32, #tpu.memory_space<vmem>>, vector<16xf32>,
        %mul3A_78 = arith.constant 16 : i32
        %mul3A_79 = arith.muli %scan3A_71, %mul3A_78 : i32
        %get3A_80 = arith.index_cast %scan3A_56 : i32 to index
        %get3A_81 = arith.index_cast %mul3A_79 : i32 to index
        %get3A_82 = tpu.vector_load %arg14[%get3A_80, %get3A_81] {strides = array<i32>} : memref<128x128xf32, #tpu.memory_space<vmem>>, vector<16xf32>,
        %mul3A_83 = arith.mulf %get3A_77, %get3A_82 : vector<16xf32>
        %add3A_84 = arith.addf %scan3A_72, %mul3A_83 : vector<16xf32>
        scf.yield %add3A_84 : vector<16xf32>
      }
      %scan3A_68 = arith.constant 7 : i32
      %swap3A = arith.index_cast %scan3A_56 : i32 to index
      %swap3A_69 = arith.constant 0 : index
      %swap3A_70 = tpu.vector_load %arg17[%swap3A, %swap3A_69] {strides = array<i32>} : memref<128x16xf32, #tpu.memory_space<vmem>>, vector<16xf32>,
      tpu.vector_store %arg17[%swap3A, %swap3A_69], %scan3A_67 {strides = array<i32>} : memref<128x16xf32, #tpu.memory_space<vmem>>, vector<16xf32>,
    }
    %scan3A_39 = arith.constant 128 : i32
    %iota3A = tpu.iota {dimensions = array<i32: 0>} : vector<16xi32>
    %scan3A_40 = arith.constant 0 : i32
    %scan3A_41 = arith.constant 0 : i32
    %scan3A_42 = arith.constant 8 : i32
    %scan3A_43 = arith.addi %scan3A_41, %scan3A_42 : i32
    %scan3A_44 = arith.constant 1 : i32
    scf.for %scan3A_56 = %scan3A_41 to %scan3A_43 step %scan3A_44  : i32 {
      %mul3A_57 = arith.constant 16 : i32
      %mul3A_58 = arith.muli %scan3A_56, %mul3A_57 : i32
      %add3A_59 = vector.broadcast %mul3A_58 : i32 to vector<16xi32>
      %add3A_60 = arith.addi %add3A_59, %iota3A : vector<16xi32>
      %mul3A_61 = arith.constant 16 : i32
      %mul3A_62 = arith.muli %scan3A_56, %mul3A_61 : i32
      %get3A = arith.index_cast %mul3A_62 : i32 to index
      %get3A_63 = tpu.vector_load %arg15[%get3A] {strides = array<i32>} : memref<128xf32, #tpu.memory_space<vmem>>, vector<16xf32>,
      %broadcast_in_dim3A = arith.constant 0 : i32
      %broadcast_in_dim3A_64 = vector.broadcast %broadcast_in_dim3A : i32 to vector<16xi32>
      %gather3A = tpu.vector_load_idx %arg17[%add3A_60, %broadcast_in_dim3A_64] : memref<128x16xf32, #tpu.memory_space<vmem>>[vector<16xi32>, vector<16xi32>], vector<16xf32>,
      %add3A_65 = arith.addf %get3A_63, %gather3A : vector<16xf32>
      %broadcast_in_dim3A_66 = arith.constant 1 : i32
      %broadcast_in_dim3A_67 = vector.broadcast %broadcast_in_dim3A_66 : i32 to vector<16xi32>
      %gather3A_68 = tpu.vector_load_idx %arg17[%add3A_60, %broadcast_in_dim3A_67] : memref<128x16xf32, #tpu.memory_space<vmem>>[vector<16xi32>, vector<16xi32>], vector<16xf32>,
      %add3A_69 = arith.addf %add3A_65, %gather3A_68 : vector<16xf32>
      %broadcast_in_dim3A_70 = arith.constant 2 : i32
      %broadcast_in_dim3A_71 = vector.broadcast %broadcast_in_dim3A_70 : i32 to vector<16xi32>
      %gather3A_72 = tpu.vector_load_idx %arg17[%add3A_60, %broadcast_in_dim3A_71] : memref<128x16xf32, #tpu.memory_space<vmem>>[vector<16xi32>, vector<16xi32>], vector<16xf32>,
      %add3A_73 = arith.addf %add3A_69, %gather3A_72 : vector<16xf32>
      %broadcast_in_dim3A_74 = arith.constant 3 : i32
      %broadcast_in_dim3A_75 = vector.broadcast %broadcast_in_dim3A_74 : i32 to vector<16xi32>
      %gather3A_76 = tpu.vector_load_idx %arg17[%add3A_60, %broadcast_in_dim3A_75] : memref<128x16xf32, #tpu.memory_space<vmem>>[vector<16xi32>, vector<16xi32>], vector<16xf32>,
      %add3A_77 = arith.addf %add3A_73, %gather3A_76 : vector<16xf32>
      %broadcast_in_dim3A_78 = arith.constant 4 : i32
      %broadcast_in_dim3A_79 = vector.broadcast %broadcast_in_dim3A_78 : i32 to vector<16xi32>
      %gather3A_80 = tpu.vector_load_idx %arg17[%add3A_60, %broadcast_in_dim3A_79] : memref<128x16xf32, #tpu.memory_space<vmem>>[vector<16xi32>, vector<16xi32>], vector<16xf32>,
      %add3A_81 = arith.addf %add3A_77, %gather3A_80 : vector<16xf32>
      %broadcast_in_dim3A_82 = arith.constant 5 : i32
      %broadcast_in_dim3A_83 = vector.broadcast %broadcast_in_dim3A_82 : i32 to vector<16xi32>
      %gather3A_84 = tpu.vector_load_idx %arg17[%add3A_60, %broadcast_in_dim3A_83] : memref<128x16xf32, #tpu.memory_space<vmem>>[vector<16xi32>, vector<16xi32>], vector<16xf32>,
      %add3A_85 = arith.addf %add3A_81, %gather3A_84 : vector<16xf32>
      %broadcast_in_dim3A_86 = arith.constant 6 : i32
      %broadcast_in_dim3A_87 = vector.broadcast %broadcast_in_dim3A_86 : i32 to vector<16xi32>
      %gather3A_88 = tpu.vector_load_idx %arg17[%add3A_60, %broadcast_in_dim3A_87] : memref<128x16xf32, #tpu.memory_space<vmem>>[vector<16xi32>, vector<16xi32>], vector<16xf32>,
      %add3A_89 = arith.addf %add3A_85, %gather3A_88 : vector<16xf32>
      %broadcast_in_dim3A_90 = arith.constant 7 : i32
      %broadcast_in_dim3A_91 = vector.broadcast %broadcast_in_dim3A_90 : i32 to vector<16xi32>
      %gather3A_92 = tpu.vector_load_idx %arg17[%add3A_60, %broadcast_in_dim3A_91] : memref<128x16xf32, #tpu.memory_space<vmem>>[vector<16xi32>, vector<16xi32>], vector<16xf32>,
      %add3A_93 = arith.addf %add3A_89, %gather3A_92 : vector<16xf32>
      %broadcast_in_dim3A_94 = arith.constant 8 : i32
      %broadcast_in_dim3A_95 = vector.broadcast %broadcast_in_dim3A_94 : i32 to vector<16xi32>
      %gather3A_96 = tpu.vector_load_idx %arg17[%add3A_60, %broadcast_in_dim3A_95] : memref<128x16xf32, #tpu.memory_space<vmem>>[vector<16xi32>, vector<16xi32>], vector<16xf32>,
      %add3A_97 = arith.addf %add3A_93, %gather3A_96 : vector<16xf32>
      %broadcast_in_dim3A_98 = arith.constant 9 : i32
      %broadcast_in_dim3A_99 = vector.broadcast %broadcast_in_dim3A_98 : i32 to vector<16xi32>
      %gather3A_100 = tpu.vector_load_idx %arg17[%add3A_60, %broadcast_in_dim3A_99] : memref<128x16xf32, #tpu.memory_space<vmem>>[vector<16xi32>, vector<16xi32>], vector<16xf32>,
      %add3A_101 = arith.addf %add3A_97, %gather3A_100 : vector<16xf32>
      %broadcast_in_dim3A_102 = arith.constant 10 : i32
      %broadcast_in_dim3A_103 = vector.broadcast %broadcast_in_dim3A_102 : i32 to vector<16xi32>
      %gather3A_104 = tpu.vector_load_idx %arg17[%add3A_60, %broadcast_in_dim3A_103] : memref<128x16xf32, #tpu.memory_space<vmem>>[vector<16xi32>, vector<16xi32>], vector<16xf32>,
      %add3A_105 = arith.addf %add3A_101, %gather3A_104 : vector<16xf32>
      %broadcast_in_dim3A_106 = arith.constant 11 : i32
      %broadcast_in_dim3A_107 = vector.broadcast %broadcast_in_dim3A_106 : i32 to vector<16xi32>
      %gather3A_108 = tpu.vector_load_idx %arg17[%add3A_60, %broadcast_in_dim3A_107] : memref<128x16xf32, #tpu.memory_space<vmem>>[vector<16xi32>, vector<16xi32>], vector<16xf32>,
      %add3A_109 = arith.addf %add3A_105, %gather3A_108 : vector<16xf32>
      %broadcast_in_dim3A_110 = arith.constant 12 : i32
      %broadcast_in_dim3A_111 = vector.broadcast %broadcast_in_dim3A_110 : i32 to vector<16xi32>
      %gather3A_112 = tpu.vector_load_idx %arg17[%add3A_60, %broadcast_in_dim3A_111] : memref<128x16xf32, #tpu.memory_space<vmem>>[vector<16xi32>, vector<16xi32>], vector<16xf32>,
      %add3A_113 = arith.addf %add3A_109, %gather3A_112 : vector<16xf32>
      %broadcast_in_dim3A_114 = arith.constant 13 : i32
      %broadcast_in_dim3A_115 = vector.broadcast %broadcast_in_dim3A_114 : i32 to vector<16xi32>
      %gather3A_116 = tpu.vector_load_idx %arg17[%add3A_60, %broadcast_in_dim3A_115] : memref<128x16xf32, #tpu.memory_space<vmem>>[vector<16xi32>, vector<16xi32>], vector<16xf32>,
      %add3A_117 = arith.addf %add3A_113, %gather3A_116 : vector<16xf32>
      %broadcast_in_dim3A_118 = arith.constant 14 : i32
      %broadcast_in_dim3A_119 = vector.broadcast %broadcast_in_dim3A_118 : i32 to vector<16xi32>
      %gather3A_120 = tpu.vector_load_idx %arg17[%add3A_60, %broadcast_in_dim3A_119] : memref<128x16xf32, #tpu.memory_space<vmem>>[vector<16xi32>, vector<16xi32>], vector<16xf32>,
      %add3A_121 = arith.addf %add3A_117, %gather3A_120 : vector<16xf32>
      %broadcast_in_dim3A_122 = arith.constant 15 : i32
      %broadcast_in_dim3A_123 = vector.broadcast %broadcast_in_dim3A_122 : i32 to vector<16xi32>
      %gather3A_124 = tpu.vector_load_idx %arg17[%add3A_60, %broadcast_in_dim3A_123] : memref<128x16xf32, #tpu.memory_space<vmem>>[vector<16xi32>, vector<16xi32>], vector<16xf32>,
      %add3A_125 = arith.addf %add3A_121, %gather3A_124 : vector<16xf32>
      %mul3A_126 = arith.constant 16 : i32
      %mul3A_127 = arith.muli %scan3A_56, %mul3A_126 : i32
      %swap3A = arith.index_cast %mul3A_127 : i32 to index
      %swap3A_128 = tpu.vector_load %arg16[%swap3A] {strides = array<i32>} : memref<128xf32, #tpu.memory_space<vmem>>, vector<16xf32>,
      tpu.vector_store %arg16[%swap3A], %add3A_125 {strides = array<i32>} : memref<128xf32, #tpu.memory_space<vmem>>, vector<16xf32>,
    }
    %scan3A_45 = arith.constant 8 : i32
    "tpu.region"() ({
      %run_scoped3A = tpu.sem_alloc : memref<!tpu.dma_semaphore, #tpu.memory_space<semaphore_mem>>
      %dma_start3A_56 = tpu.memref_slice %arg7[%mul3A_2] : memref<4096xf32, #tpu.memory_space<hbm>> -> memref<128xf32, #tpu.memory_space<hbm>>
      %dma_start3A_57 = tpu.memref_slice %arg7[%mul3A_2] : memref<4096xf32, #tpu.memory_space<hbm>> -> memref<128xf32, #tpu.memory_space<hbm>>
      tpu.enqueue_dma source(%arg16 : memref<128xf32, #tpu.memory_space<vmem>>) target(%dma_start3A_57 : memref<128xf32, #tpu.memory_space<hbm>>) target_semaphore(%run_scoped3A : memref<!tpu.dma_semaphore, #tpu.memory_space<semaphore_mem>>)
      %dma_wait3A_58 = tpu.memref_slice %arg7[%mul3A_2] : memref<4096xf32, #tpu.memory_space<hbm>> -> memref<128xf32, #tpu.memory_space<hbm>>
      %dma_wait3A_59 = tpu.memref_slice %arg7[%mul3A_2] : memref<4096xf32, #tpu.memory_space<hbm>> -> memref<128xf32, #tpu.memory_space<hbm>>
      tpu.wait_dma2 semaphore(%run_scoped3A : memref<!tpu.dma_semaphore, #tpu.memory_space<semaphore_mem>>) src(%arg16 : memref<128xf32, #tpu.memory_space<vmem>>) dst(%dma_wait3A_59 : memref<128xf32, #tpu.memory_space<hbm>>)
      tpu.yield
    }) : () -> ()
    %dma_wait3A_46 = arith.constant 0 : i32
    %dma_wait3A_47 = tpu.memref_slice %arg9[%mul3A_2, %dma_wait3A_46] : memref<4096x128xf32, #tpu.memory_space<hbm>> -> memref<128x128xf32, #tpu.memory_space<hbm>>
    %dma_wait3A_48 = arith.constant 0 : i32
    %dma_wait3A_49 = tpu.memref_slice %arg9[%mul3A_2, %dma_wait3A_48] : memref<4096x128xf32, #tpu.memory_space<hbm>> -> memref<128x128xf32, #tpu.memory_space<hbm>>
    tpu.wait_dma2 semaphore(%arg21 : memref<!tpu.dma_semaphore, #tpu.memory_space<semaphore_mem>>) src(%arg13 : memref<128x128xf32, #tpu.memory_space<vmem>>) dst(%dma_wait3A_49 : memref<128x128xf32, #tpu.memory_space<hbm>>)
    %dma_wait3A_50 = arith.constant 0 : i32
    %dma_wait3A_51 = tpu.memref_slice %arg10[%mul3A_2, %dma_wait3A_50] : memref<4096x128xf32, #tpu.memory_space<hbm>> -> memref<128x128xf32, #tpu.memory_space<hbm>>
    %dma_wait3A_52 = arith.constant 0 : i32
    %dma_wait3A_53 = tpu.memref_slice %arg10[%mul3A_2, %dma_wait3A_52] : memref<4096x128xf32, #tpu.memory_space<hbm>> -> memref<128x128xf32, #tpu.memory_space<hbm>>
    tpu.wait_dma2 semaphore(%arg22 : memref<!tpu.dma_semaphore, #tpu.memory_space<semaphore_mem>>) src(%arg14 : memref<128x128xf32, #tpu.memory_space<vmem>>) dst(%dma_wait3A_53 : memref<128x128xf32, #tpu.memory_space<hbm>>)
    %dma_wait3A_54 = tpu.memref_slice %arg8[%mul3A_2] : memref<4096xf32, #tpu.memory_space<hbm>> -> memref<128xf32, #tpu.memory_space<hbm>>
    %dma_wait3A_55 = tpu.memref_slice %arg8[%mul3A_2] : memref<4096xf32, #tpu.memory_space<hbm>> -> memref<128xf32, #tpu.memory_space<hbm>>
    tpu.wait_dma2 semaphore(%arg20 : memref<!tpu.dma_semaphore, #tpu.memory_space<semaphore_mem>>) src(%arg15 : memref<128xf32, #tpu.memory_space<vmem>>) dst(%dma_wait3A_55 : memref<128xf32, #tpu.memory_space<hbm>>)
    return
  }
}

</mosaic_0001>

<sc_bundles>
// kernel: _run.3.cloned.1.call-start
scs
__scs_entry_jumppad:
0x0: {  	(pc) =	sbr.rel $0x88, $3  }
0x1: {  	(tag) =	ssettag $0x0;
	lr =	simm.s32 $0x1  }
0x2: {  	[smem:$0x3F9C] =	sst lr;
	_ =	strace $0xD0000000  }
0x3: {  	_ = 	snop  }
0x4: {  	_ = 	snop  }
0x5: {  	_ = 	snop  }
0x6: {  	_ = 	snop  }
0x7: {  	_ = 	snop  }
__scs_overlays_trampoline_lowered:
0x8: {  	[smem:$0x3FAB] =	sst s0  }
0x9: {  	[smem:$0x3FAC] =	sst s1  }
0xa: {  	[smem:$0x3FAD] =	sst s2  }
0xb: {  	[smem:$0x3FAE] =	sst s3  }
0xc: {  	[smem:$0x3FAF] =	sst s4  }
0xd: {  	[smem:$0x3FB0] =	sst s5  }
0xe: {  	[smem:$0x3FB1] =	sst s6  }
0xf: {  	[smem:$0x3FB2] =	sst s7  }
0x10: {  	[smem:$0x3FB3] =	sst s8  }
0x11: {  	[smem:$0x3FB4] =	sst s9;
	s0 =	simm.s32 @!p0 $0x0  }
0x12: {  	s1 =	sld [smem:$0x3F9A];
	s0 =	simm.s32 @p0 $0x1  }
0x13: {  	[smem:$0x3FB5] =	sst s0;
	s0 =	simm.s32 @!p1 $0x0  }
0x14: {  	s2 =	sld [smem:$0x3F99];
	s0 =	simm.s32 @p1 $0x1  }
0x15: {  	[smem:$0x3FB6] =	sst s0;
	s0 =	simm.s32 @!p2 $0x0  }
0x16: {  	s3 =	sld [smem:$0x3FDB];
	s0 =	simm.s32 @p2 $0x1  }
0x17: {  	s4 =	simm.s32 $0x1BF5;
	[smem:$0x3FB8] =	sst s0  }
0x18: {  	s0 =	sld [smem:$0x3F9B];
	_ =	swait.ge [sflag:s4], $0x0  }
0x19: {  	s7 =	sld [smem:$0x3F9C]  }
0x1a: {  	s8 =	sadd.s32 $0xFFFFE003, lr  }
0x1b: {  	s9 =	sadd.s32 $0xFFFFFEF7, lr;
	s5 =	simm.s32 $0xFFFFFFFF;
	p2 =	slt.u32 s8, $0xFFFFF086  }
0x1c: {  	p1 =	slt.u32 s9, $0xF7A;
	s5 =	simm.s32 @!p2 $0x0  }
0x1d: {  	s5 =	simm.s32 @p1 $0x1;
	p0 =	seq.s32 s7, s2  }
0x1e: {  	s7 =	smul.u32 @!p0 $0xF7A, s2;
	p2 =	seq.s32 @!p0 s5, $0x0  }
0x1f: {  	s9 =	smul.u32 $0xF7A, s1;
	s8 =	simm.s32 @!p0 $0x1BF5;
	p2 =	por !p2, p0  }
0x20: {  	[sflag:s8] =	ssyncset.s32 @!p0 $0xFFFFF086;
	s6 =	sadd.s32 @!p0 s3, s7;
	s7 =	simm.s32 @!p0 $0x108  }
0x21: {  	s3 =	sadd.s32 s3, s9;
	s6 =	sadd.s32 @!p0 $0x88, s6;
	s7 =	simm.s32 @p2 $0x1082  }
0x22: {  	[simem:s7], [sflag:s8] =	dma.local @!p0 [hbm:s6], $0xF7A  }
0x23: {  	s9 =	sor.u32 $0xD0000000, s2;
	s6 =	simm.s32 $0x108;
	_ =	swait.ge @!p0 [sflag:s8], $0x0  }
0x24: {  	s3 =	sadd.s32 $0x88, s3;
	s6 =	simm.s32 @!p1 $0x1082;
	[sflag:s4] =	ssyncset.s32 $0xFFFFF086  }
0x25: {  	[simem:s6], [sflag:s4] =	dma.local [hbm:s3], $0xF7A  }
0x26: {  	[smem:$0x3F9C] =	sst s1;
	(tag) =	ssettag s2;
	_ =	strace s9  }
0x27: {  	s1 =	sld [smem:$0x3FAC]  }
0x28: {  	s2 =	sld [smem:$0x3FAD]  }
0x29: {  	s4 =	sld [smem:$0x3FAF]  }
0x2a: {  	p0 =	seq.s32 s5, $0x0;
	s5 =	sld [smem:$0x3FB0]  }
0x2b: {  	s6 =	sld [smem:$0x3FB1]  }
0x2c: {  	s7 =	sld [smem:$0x3FB2]  }
0x2d: {  	s3 =	simm.s32 $0x108;
	s8 =	sld [smem:$0x3FB3]  }
0x2e: {  	s3 =	simm.s32 @!p0 $0x1082;
	s9 =	sld [smem:$0x3FB4]  }
0x2f: {  	lr =	sadd.s32 s0, s3;
	s0 =	sld [smem:$0x3FAB]  }
0x30: {  	s3 =	sld [smem:$0x3FAE]  }
0x31: {  	[smem:$0x3FB7] =	sst s10  }
0x32: {  	s10 =	sld [smem:$0x3FB5];
	_ =	sdelay $0x3  }
0x33: {  	p0 =	seq.s32 s10, $0x1;
	s10 =	sld [smem:$0x3FB7];
	_ =	sdelay $0x3  }
0x34: {  	[smem:$0x3FB7] =	sst s10  }
0x35: {  	s10 =	sld [smem:$0x3FB6];
	_ =	sdelay $0x3  }
0x36: {  	p1 =	seq.s32 s10, $0x1;
	s10 =	sld [smem:$0x3FB7];
	_ =	sdelay $0x3  }
0x37: {  	[smem:$0x3FB7] =	sst s10  }
0x38: {  	s10 =	sld [smem:$0x3FB8]  }
0x39: {  	_ = 	snop;
	(pc) =	sbr.ind lr, $3  }
0x3a: {  	_ = 	snop  }
0x3b: {  	_ = 	snop  }
0x3c: {  	p2 =	seq.s32 s10, $0x1;
	s10 =	sld [smem:$0x3FB7]  }
0x3d: {  	_ =	shalt  }
0x3e: {  	_ =	shalt  }
0x3f: {  	_ =	shalt  }
0x40: {  	_ =	shalt  }
0x41: {  	_ =	shalt  }
0x42: {  	_ =	shalt  }
0x43: {  	_ =	shalt  }
0x44: {  	_ =	shalt  }
0x45: {  	_ =	shalt  }
0x46: {  	_ =	shalt  }
0x47: {  	_ =	shalt  }
0x48: {  	_ =	shalt  }
0x49: {  	_ =	shalt  }
0x4a: {  	_ =	shalt  }
0x4b: {  	_ =	shalt  }
0x4c: {  	_ =	shalt  }
0x4d: {  	_ =	shalt  }
0x4e: {  	_ =	shalt  }
0x4f: {  	_ =	shalt  }
0x50: {  	_ =	shalt  }
0x51: {  	_ =	shalt  }
0x52: {  	_ =	shalt  }
0x53: {  	_ =	shalt  }
0x54: {  	_ =	shalt  }
0x55: {  	_ =	shalt  }
0x56: {  	_ =	shalt  }
0x57: {  	_ =	shalt  }
0x58: {  	_ =	shalt  }
0x59: {  	_ =	shalt  }
0x5a: {  	_ =	shalt  }
0x5b: {  	_ =	shalt  }
0x5c: {  	_ =	shalt  }
0x5d: {  	_ =	shalt  }
0x5e: {  	_ =	shalt  }
0x5f: {  	_ =	shalt  }
0x60: {  	_ =	shalt  }
0x61: {  	_ =	shalt  }
0x62: {  	_ =	shalt  }
0x63: {  	_ =	shalt  }
0x64: {  	_ =	shalt  }
0x65: {  	_ =	shalt  }
0x66: {  	_ =	shalt  }
0x67: {  	_ =	shalt  }
0x68: {  	_ =	shalt  }
0x69: {  	_ =	shalt  }
0x6a: {  	_ =	shalt  }
0x6b: {  	_ =	shalt  }
0x6c: {  	_ =	shalt  }
0x6d: {  	_ =	shalt  }
0x6e: {  	_ =	shalt  }
0x6f: {  	_ =	shalt  }
0x70: {  	_ =	shalt  }
0x71: {  	_ =	shalt  }
0x72: {  	_ =	shalt  }
0x73: {  	_ =	shalt  }
0x74: {  	_ =	shalt  }
0x75: {  	_ =	shalt  }
0x76: {  	_ =	shalt  }
0x77: {  	_ =	shalt  }
0x78: {  	_ =	shalt  }
0x79: {  	_ =	shalt  }
0x7a: {  	_ =	shalt  }
0x7b: {  	_ =	shalt  }
0x7c: {  	_ =	shalt  }
0x7d: {  	_ =	shalt  }
0x7e: {  	_ =	shalt  }
0x7f: {  	_ =	shalt  }
0x80: {  	_ =	shalt  }
0x81: {  	_ =	shalt  }
0x82: {  	_ =	shalt  }
0x83: {  	_ =	shalt  }
0x84: {  	_ =	shalt  }
0x85: {  	_ =	shalt  }
0x86: {  	_ =	shalt  }
0x87: {  	_ =	shalt  }
.Lfunc_end0:
.L_simem_size_0:
called_computation_lowered:
.L_overlay_start_0:
0x88: {  	s2 =	sld [smem:$0x3FD9]  }
0x89: {  	s3 =	sld [smem:$0x3FFE];
	_ =	sdelay $0x1  }
0x8a: {  	s1 =	srdreg.scid  }
0x8b: {  	s0 =	sand.u32 $0x1, s1  }
0x8c: {  	s15 =	sshll.u32 s0, $0xA;
	s2 =	sadd.s32 s3, s2  }
0x8d: {  	s2 =	sadd.s32 s2, s15  }
0x8e: {  	[smem:$0x3FC3] =	sst s2  }
0x8f: {  	_ = 	snop  }
0x90: {  	s2 =	sld [smem:$0x3FC9]  }
0x91: {  	s16 =	sld [smem:$0x3FC8]  }
0x92: {  	s4 =	sld [smem:$0x3FD0]  }
0x93: {  	s5 =	sld [smem:$0x3FC7]  }
0x94: {  	s6 =	sld [smem:$0x3FC6]  }
0x95: {  	s8 =	simm.s32 $0xA;
	s9 =	simm.s32 $0x10;
	s7 =	sld [smem:$0x3FC5]  }
0x96: {  	[smem:s9], [sflag:s8] =	dma.local [hbm:s4], $0x1  }
0x97: {  	_ =	swait.eq [sflag:s8], $0x1  }
0x98: {  	s17 =	sld [smem:$0x10]  }
0x99: {  	s18 =	sld [smem:$0x11];
	[sflag:s8] =	ssyncset.done $0x0  }
0x9a: {  	s10 =	sld [smem:$0x12];
	[sflag:s8] =	ssyncadd.s32 $0xFFFFFFFF  }
0x9b: {  	s19 =	sld [smem:$0x13];
	(tm) =	ssettm $0x1  }
0x9c: {  	s11 =	sld [smem:$0x3FFB];
	_ =	sdelay $0x3  }
0x9d: {  	_ =	strace s11  }
0x9e: {  	s11 =	sld [smem:$0x3FFC];
	_ =	sdelay $0x3  }
0x9f: {  	_ =	strace s11  }
0xa0: {  	s11 =	sld [smem:$0x3FFD];
	_ =	sdelay $0x3  }
0xa1: {  	_ =	strace s11  }
0xa2: {  	_ =	strace $0x8FFFFFFF  }
0xa3: {  	s20 =	sld [smem:$0x3FDB];
	_ =	sdelay $0x1  }
0xa4: {  	s12 =	simm.s32 $_scs_section_size  }
0xa5: {  	s13 =	simm.s32 $_size__tile_overlayer_lowered;
	s14 =	simm.s32 $_tile_overlayer_lowered  }
0xa6: {  	s23 =	simm.s32 $0x1BFF;
	s22 =	sshll.u32 s14, $0x1;
	s11 =	sadd.s32 s12, s20  }
0xa7: {  	s21 =	sshll.u32 s13, $0x1;
	s15 =	simm.s32 $0x0;
	s13 =	sadd.s32 s22, s11  }
0xa8: {  	[timem:s15], [sflag:s23] =	dma.local [hbm:s13], s21  }
0xa9: {  	_ =	swait.ge [sflag:s23], s21  }
0xaa: {  	s12 =	ssub.s32 $0x0, s21;
	[sflag:s23] =	ssyncset.done $0x0  }
0xab: {  	[sflag:s23] =	ssyncadd.s32 s12;
	_ =	sdelay $0x1  }
0xac: {  	s24 =	simm.s32 $0x1B8B  }
0xad: {  	_ =	swait.ge [sflag:s24], $0x1  }
0xae: {  	[sflag:s24] =	ssyncset.done $0x0  }
0xaf: {  	s25 =	simm.s32 $0x1B8E;
	[sflag:s24] =	ssyncadd.s32 $0xFFFFFFFF  }
0xb0: {  	s26 =	simm.s32 $execute0_lowered;
	[smem:$0x3FD2] =	sst s25  }
0xb1: {  	s12 =	sshll.u32 s26, $0x1;
	_ =	strace $0x80000046;
	[dreg:$0x1] =	wrdreg $0xFFFFFFFF  }
0xb2: {  	s28 =	simm.s32 $_size_execute0_lowered;
	s11 =	sadd.s32 s11, s12;
	[dreg:$0x0] =	wrdreg $0x0  }
0xb3: {  	s12 =	sshll.u32 s28, $0x1;
	[dreg:$0x2] =	wrdreg s11  }
0xb4: {  	[dreg:$0x3] =	wrdreg s12  }
0xb5: {  	[dreg:$0x4] =	wrdreg $0xC0  }
0xb6: {  	_ =	task [dreg:s15], $0x5FFFF  }
0xb7: {  	[dreg:$0x1] =	wrdreg $0xFFFFFFFF  }
0xb8: {  	[dreg:$0x0] =	wrdreg $0x60  }
0xb9: {  	[dreg:$0x2] =	wrdreg s2  }
0xba: {  	[dreg:$0x3] =	wrdreg s16  }
0xbb: {  	[dreg:$0x4] =	wrdreg s5  }
0xbc: {  	[dreg:$0x5] =	wrdreg s6  }
0xbd: {  	[dreg:$0x6] =	wrdreg s7  }
0xbe: {  	[dreg:$0x7] =	wrdreg s17  }
0xbf: {  	[dreg:$0x8] =	wrdreg s18  }
0xc0: {  	[dreg:$0x9] =	wrdreg s10  }
0xc1: {  	[dreg:$0xa] =	wrdreg s19  }
0xc2: {  	[dreg:$0xb] =	wrdreg $0x9  }
0xc3: {  	_ =	task.clear_ibuf [dreg:s15], $0xCFFFF;
	_ =	strace $0x90000046  }
0xc4: {  	s29 =	simm.s32 $0x9;
	_ =	strace $0x80000048  }
0xc5: {  	_ =	swait.ge [sflag:s29], $0x1  }
0xc6: {  	[sflag:s29] =	ssyncadd.s32 $0xFFFFFFFF  }
0xc7: {  	_ =	strace $0x90000048  }
0xc8: {  	_ =	sfence  }
0xc9: {  	s30 =	sld [smem:$0x0];
	_ =	sdelay $0x2  }
0xca: {  	s31 =	sshll.u32 s1, $0xD;
	s1 =	sshrl.u32 s1, $0x2  }
0xcb: {  	s3 =	sand.u32 $0x4000, s31;
	s1 =	sadd.s32 s1, s30  }
0xcc: {  	s0 =	sor.u32 s3, s0;
	s1 =	sshll.u32 s1, $0x11  }
0xcd: {  	s0 =	sor.u32 s1, s0  }
0xce: {  	s0 =	sadd.s32 $0x8F2B, s0  }
0xcf: {  	[sflag:s0] =	ssyncadd.remote.s32 $0x1  }
0xd0: {  	_ =	sfence.sel $0xFFFF  }
0xd1: {  	[dreg:$0x0] =	wrdreg $0xFFFFFFFF;
	(pc) =	sbr.abs _section_cstart, $3  }
0xd2: {  	[dreg:$0x1] =	wrdreg $0xFFFFFFFF  }
0xd3: {  	_ =	task.clear_ibuf [dreg:s15], $0x2FFFF;
	_ =	strace $0x9FFFFFFF  }
0xd4: {  	(tm) =	ssettm $0x7FFFFFFF  }
0xd5: {  	_ =	shalt  }
tec
execute0_lowered:
.L_overlay_start_1:
0x0: {  	(tag) =	ssettag $0x1  }
0x1: {  	s6 =	rddreg [dreg:$0x0]  }
0x2: {  	s7 =	rddreg [dreg:$0x1]  }
0x3: {  	s0 =	rddreg [dreg:$0x2]  }
0x4: {  	s2 =	rddreg [dreg:$0x3]  }
0x5: {  	s3 =	rddreg [dreg:$0x4]  }
0x6: {  	s11 =	rddreg [dreg:$0x5]  }
0x7: {  	s10 =	rddreg [dreg:$0x6]  }
0x8: {  	s8 =	rddreg [dreg:$0x7]  }
0x9: {  	s9 =	rddreg [dreg:$0x8]  }
0xa: {  	s1 =	rddreg [dreg:$0x9];
	s12 =	srdreg.scid  }
0xb: {  	s5 =	simm.s32 $0x0;
	s4 =	stileid.u32;
	s16 =	simm.s32 $0x2  }
0xc: {  	s17 =	simm.s32 $0x8100;
	s18 =	simm.s32 $0x4100;
	s19 =	simm.s32 $0x3  }
0xd: {  	s20 =	simm.s32 $0x8200;
	s21 =	simm.s32 $0x8180;
	s22 =	simm.s32 $0x6  }
0xe: {  	s23 =	simm.s32 $0x4;
	s24 =	simm.s32 $0x5;
	s12 =	sand.u32 $0x1, s12  }
0xf: {  	s25 =	simm.s32 $0x0;
	s14 =	sshll.u32 s4, $0x8;
	s13 =	ssub.s32 $0x2, s12  }
0x10: {  	[smem:$0x7FF] =	sst s5;
	s12 =	sshll.u32 s12, $0x7;
	s15 =	sshrl.u32 s13, $0x1  }
0x11: {  	_ =	strace $0x80000047;
	s12 =	sor.u32 s12, s14;
	s13 =	ssub.s32 s13, s15  }
0x12: {  	s14 =	sshrl.u32 s12, $0x3;
	s12 =	sshll.u32 s12, $0x4;
	s15 =	simm.s32 $0x100  }
0x13: {  	s6 =	sadd.s32 s6, s14;
	s7 =	sadd.s32 s7, s14;
	s8 =	sadd.s32 s8, s12  }
0x14: {  	v0 =	vlaneseq.u32;
	s9 =	sadd.s32 s9, s12;
	s10 =	sadd.s32 s10, s14;
	s11 =	sadd.s32 s11, s14  }
0x15: {  	v0 =	vmul.u32 $0x80, v0;
	s12 =	smax.u32 s13, $0x1;
	s13 =	simm.s32 $0x80;
	s14 =	simm.s32 $0x1  }
.LBB2_1:
0x16: {  	[tilespmem:s5], [sflag:$0x1] =	stream.linear.gather [hbm4b:s6+s5], $0x80, $0x38;
	[tilespmem:$0xC200] =	vst v63  }
0x17: {  	_ = 	snop  }
0x18: {  	[tilespmem:s13], [sflag:$0x2] =	stream.linear.gather [hbm4b:s7+s5], $0x80, $0x38;
	[tilespmem:$0xC200] =	vst v63  }
0x19: {  	_ =	swait.ge [sflag:s14], $0x80  }
0x1a: {  	[sflag:s14] =	ssyncset.done $0x0  }
0x1b: {  	[sflag:s14] =	ssyncadd.s32 $0xFFFFFF80  }
0x1c: {  	[tilespmem:s15], [sflag:$0x1] =	stream.indirect.gather [hbm4b:s2+s13], $0x80, s5, s13, $0xb8;
	[tilespmem:$0xC200] =	vst v63  }
0x1d: {  	_ =	swait.ge [sflag:s16], $0x80  }
0x1e: {  	[sflag:s16] =	ssyncset.done $0x0  }
0x1f: {  	[sflag:s16] =	ssyncadd.s32 $0xFFFFFF80  }
0x20: {  	[tilespmem:s17], [sflag:$0x3] =	stream.indirect.gather [hbm4b:s0+s13], $0x1, s13, s13, $0xb8;
	[tilespmem:$0xC200] =	vst v63  }
0x21: {  	_ = 	snop  }
0x22: {  	[tilespmem:s18], [sflag:$0x2] =	stream.indirect.gather [hbm4b:s3+s13], $0x80, s13, s13, $0xb8;
	[tilespmem:$0xC200] =	vst v63  }
0x23: {  	_ =	swait.ge [sflag:s14], $0x4000  }
0x24: {  	[sflag:s14] =	ssyncset.done $0x0  }
0x25: {  	[sflag:s14] =	ssyncadd.s32 $0xFFFFC000  }
0x26: {  	[hbm4b:s8+s5] =	stream.linear.scatter [tilespmem:s15], [sflag:$0x4], $0x4000, $0x38;
	[tilespmem:$0xC200] =	vst v63  }
0x27: {  	_ =	swait.ge [sflag:s16], $0x4000  }
0x28: {  	[sflag:s16] =	ssyncset.done $0x0  }
0x29: {  	[sflag:s16] =	ssyncadd.s32 $0xFFFFC000  }
0x2a: {  	[hbm4b:s9+s5] =	stream.linear.scatter [tilespmem:s18], [sflag:$0x5], $0x4000, $0x38;
	[tilespmem:$0xC200] =	vst v63  }
0x2b: {  	_ =	swait.ge [sflag:s19], $0x80  }
0x2c: {  	[sflag:s19] =	ssyncset.done $0x0  }
0x2d: {  	s26 =	simm.s32 $0x0;
	[sflag:s19] =	ssyncadd.s32 $0xFFFFFF80  }
0x2e: {  	[hbm4b:s10+s5] =	stream.linear.scatter [tilespmem:s17], [sflag:$0x3], $0x80, $0x38;
	[tilespmem:$0xC200] =	vst v63  }
0x2f: {  	v1 =	vld [tilespmem:s26+$0x100]  }
0x30: {  	v2 =	vld [tilespmem:s26+$0x4100]  }
0x31: {  	v3 =	vld [tilespmem:s26+$0x110]  }
0x32: {  	v4 =	vld [tilespmem:s26+$0x4110]  }
0x33: {  	v5 =	vld [tilespmem:s26+$0x120]  }
0x34: {  	v6 =	vld [tilespmem:s26+$0x4120]  }
0x35: {  	v7 =	vld [tilespmem:s26+$0x130]  }
0x36: {  	v8 =	vld [tilespmem:s26+$0x4130]  }
0x37: {  	v1 =	vmul.f32 v2, v1;
	v2 =	vmul.f32 v4, v3;
	v3 =	vld [tilespmem:s26+$0x140]  }
0x38: {  	v4 =	vld [tilespmem:s26+$0x4140]  }
0x39: {  	v9 =	vld [tilespmem:s26+$0x4150];
	v1 =	vadd.f32 v2, v1;
	v2 =	vmul.f32 v6, v5  }
0x3a: {  	v6 =	vld [tilespmem:s26+$0x150]  }
0x3b: {  	v1 =	vadd.f32 v2, v1;
	v2 =	vmul.f32 v8, v7;
	v7 =	vld [tilespmem:s26+$0x160]  }
0x3c: {  	v8 =	vld [tilespmem:s26+$0x4160]  }
0x3d: {  	v5 =	vld [tilespmem:s26+$0x4170];
	v3 =	vmul.f32 v4, v3;
	v10 =	vadd.f32 v2, v1  }
0x3e: {  	s28 =	simm.s32 $0x80;
	v2 =	vld [tilespmem:s26+$0x170]  }
0x3f: {  	v4 =	vld [tilespmem:s28+$0x110];
	v6 =	vmul.f32 v9, v6;
	v10 =	vadd.f32 v3, v10  }
0x40: {  	v1 =	vld [tilespmem:s28+$0x100]  }
0x41: {  	s29 =	simm.s32 $0x400;
	v3 =	vld [tilespmem:s28+$0x4100];
	v7 =	vmul.f32 v8, v7;
	v6 =	vadd.f32 v6, v10  }
.LBB2_2:
0x42: {  	p0 =	sne.s32 s29, $0xFE00;
	v8 =	vld [tilespmem:s28+$0x4110]  }
0x43: {  	v9 =	vld [tilespmem:s28+$0x120];
	v6 =	vadd.f32 v7, v6;
	v2 =	vmul.f32 v5, v2  }
0x44: {  	v5 =	vld [tilespmem:s28+$0x4120]  }
0x45: {  	v7 =	vld [tilespmem:s28+$0x130];
	v2 =	vadd.f32 v2, v6  }
0x46: {  	v6 =	vld [tilespmem:s28+$0x4130]  }
0x47: {  	v1 =	vmul.f32 v3, v1;
	v3 =	vmul.f32 v8, v4;
	v4 =	vld [tilespmem:s28+$0x140];
	[tilespmem:s26+$0x8200] =	vst v2;
	s26 =	smov.u32 s28  }
0x48: {  	v2 =	vld [tilespmem:s26+$0x4140]  }
0x49: {  	v1 =	vadd.f32 v3, v1;
	v3 =	vmul.f32 v5, v9;
	v8 =	vld [tilespmem:s26+$0x150]  }
0x4a: {  	v9 =	vld [tilespmem:s26+$0x4150]  }
0x4b: {  	v1 =	vadd.f32 v3, v1;
	v3 =	vmul.f32 v6, v7;
	v7 =	vld [tilespmem:s26+$0x160]  }
0x4c: {  	v10 =	vld [tilespmem:s26+$0x4160]  }
.Ltmp0:
0x4d: {  	v3 =	vadd.f32 v3, v1;
	v4 =	vmul.f32 v2, v4;
	v2 =	vld [tilespmem:s26+$0x170];
	(pc) =	sbr.rel @p0 .LBB2_2-.Ltmp0, $4  }
0x4e: {  	s28 =	sshra.s32 s29, $0x2;
	v5 =	vld [tilespmem:s26+$0x4170]  }
0x4f: {  	v1 =	vld [tilespmem:s28+$0x100];
	v6 =	vadd.f32 v4, v3;
	v8 =	vmul.f32 v9, v8  }
0x50: {  	v3 =	vld [tilespmem:s28+$0x4100]  }
0x51: {  	s29 =	sadd.s32 $0x200, s29;
	v4 =	vld [tilespmem:s28+$0x110];
	v6 =	vadd.f32 v8, v6;
	v7 =	vmul.f32 v10, v7  }
0x52: {  	v8 =	vld [tilespmem:s28+$0x4110]  }
0x53: {  	v9 =	vld [tilespmem:s28+$0x120];
	v6 =	vadd.f32 v7, v6;
	v2 =	vmul.f32 v5, v2  }
0x54: {  	v5 =	vld [tilespmem:s28+$0x4120]  }
0x55: {  	v7 =	vld [tilespmem:s28+$0x130];
	v2 =	vadd.f32 v2, v6  }
0x56: {  	v6 =	vld [tilespmem:s28+$0x4130]  }
0x57: {  	v10 =	vld [tilespmem:s28+$0x140];
	v1 =	vmul.f32 v3, v1;
	v3 =	vmul.f32 v8, v4;
	[tilespmem:s26+$0x8200] =	vst v2  }
0x58: {  	v2 =	vld [tilespmem:s28+$0x4140]  }
0x59: {  	v4 =	vld [tilespmem:s28+$0x150];
	v1 =	vadd.f32 v3, v1;
	v3 =	vmul.f32 v5, v9  }
0x5a: {  	v5 =	vld [tilespmem:s28+$0x4150]  }
0x5b: {  	v1 =	vadd.f32 v3, v1;
	v3 =	vmul.f32 v6, v7;
	v6 =	vld [tilespmem:s28+$0x160]  }
0x5c: {  	v7 =	vld [tilespmem:s28+$0x4160]  }
0x5d: {  	v56 =	vld [tilespmem:s28+$0x4170];
	v1 =	vadd.f32 v3, v1;
	v2 =	vmul.f32 v2, v10  }
0x5e: {  	v3 =	vld [tilespmem:s28+$0x170]  }
0x5f: {  	v1 =	vadd.f32 v2, v1;
	v2 =	vmul.f32 v5, v4  }
0x60: {  	s31 =	simm.s32 $0x0  }
0x61: {  	v4 =	vmov s31;
	v1 =	vadd.f32 v2, v1;
	v2 =	vmul.f32 v7, v6  }
0x62: {  	v4 =	vshll.u32 v4, $0x7  }
0x63: {  	v1 =	vadd.f32 v2, v1;
	v2 =	vmul.f32 v56, v3;
	v3 =	vor.u32 v0, v4;
	_ =	sdelay $0x1  }
0x64: {  	v1 =	vadd.f32 v2, v1  }
0x65: {  	v2 =	vor.u32 $0x1, v3  }
0x66: {  	[tilespmem:s28+$0x8200] =	vst v1  }
0x67: {  	s30 =	simm.s32 $0x8100;
	v1 =	vor.u32 $0x2, v3;
	v4 =	vld.idx.msk [tilespmem:v3+s20+$0x0], $0xffff  }
0x68: {  	v5 =	vld [tilespmem:s30+$0x0]  }
0x69: {  	v6 =	vor.u32 $0x3, v3  }
0x6a: {  	v2 =	vld.idx.msk [tilespmem:v2+s20+$0x0], $0xffff  }
0x6b: {  	v7 =	vor.u32 $0x4, v3  }
0x6c: {  	v1 =	vld.idx.msk [tilespmem:v1+s20+$0x0], $0xffff  }
0x6d: {  	v57 =	vor.u32 $0x5, v3;
	v4 =	vadd.f32 v4, v5  }
0x6e: {  	v5 =	vld.idx.msk [tilespmem:v6+s20+$0x0], $0xffff  }
0x6f: {  	v6 =	vor.u32 $0x6, v3;
	v2 =	vadd.f32 v2, v4  }
0x70: {  	v4 =	vld.idx.msk [tilespmem:v7+s20+$0x0], $0xffff  }
0x71: {  	v7 =	vor.u32 $0x7, v3;
	v1 =	vadd.f32 v1, v2  }
0x72: {  	v2 =	vld.idx.msk [tilespmem:v57+s20+$0x0], $0xffff  }
0x73: {  	v58 =	vor.u32 $0x8, v3;
	v1 =	vadd.f32 v5, v1  }
0x74: {  	v5 =	vld.idx.msk [tilespmem:v6+s20+$0x0], $0xffff  }
0x75: {  	v6 =	vor.u32 $0x9, v3;
	v1 =	vadd.f32 v4, v1  }
0x76: {  	v4 =	vld.idx.msk [tilespmem:v7+s20+$0x0], $0xffff  }
0x77: {  	v7 =	vor.u32 $0xA, v3;
	v1 =	vadd.f32 v2, v1  }
0x78: {  	v2 =	vld.idx.msk [tilespmem:v58+s20+$0x0], $0xffff  }
0x79: {  	v59 =	vor.u32 $0xB, v3;
	v1 =	vadd.f32 v5, v1  }
0x7a: {  	v5 =	vld.idx.msk [tilespmem:v6+s20+$0x0], $0xffff  }
0x7b: {  	v6 =	vor.u32 $0xC, v3;
	v1 =	vadd.f32 v4, v1  }
0x7c: {  	v4 =	vld.idx.msk [tilespmem:v7+s20+$0x0], $0xffff  }
0x7d: {  	v7 =	vor.u32 $0xD, v3;
	v1 =	vadd.f32 v2, v1  }
0x7e: {  	v2 =	vld.idx.msk [tilespmem:v59+s20+$0x0], $0xffff  }
0x7f: {  	v60 =	vor.u32 $0xE, v3;
	v1 =	vadd.f32 v5, v1  }
0x80: {  	v5 =	vld.idx.msk [tilespmem:v6+s20+$0x0], $0xffff  }
0x81: {  	v3 =	vor.u32 $0xF, v3;
	v1 =	vadd.f32 v4, v1  }
0x82: {  	v4 =	vld.idx.msk [tilespmem:v7+s20+$0x0], $0xffff  }
0x83: {  	v1 =	vadd.f32 v2, v1  }
0x84: {  	v2 =	vld.idx.msk [tilespmem:v60+s20+$0x0], $0xffff  }
0x85: {  	v1 =	vadd.f32 v5, v1  }
0x86: {  	s31 =	simm.s32 $0x10;
	v3 =	vld.idx.msk [tilespmem:v3+s20+$0x0], $0xffff  }
0x87: {  	v5 =	vmov s31;
	v1 =	vadd.f32 v4, v1  }
0x88: {  	v4 =	vshll.u32 v5, $0x7  }
0x89: {  	v4 =	vor.u32 v0, v4;
	v1 =	vadd.f32 v2, v1;
	_ =	sdelay $0x1  }
0x8a: {  	v1 =	vadd.f32 v3, v1  }
0x8b: {  	s26 =	simm.s32 $0x8180;
	v2 =	vor.u32 $0x1, v4  }
0x8c: {  	[tilespmem:s26+$0x0] =	vst v1  }
0x8d: {  	s28 =	simm.s32 $0x8110;
	v1 =	vor.u32 $0x2, v4;
	v3 =	vld.idx.msk [tilespmem:v4+s20+$0x0], $0xffff  }
0x8e: {  	v5 =	vld [tilespmem:s28+$0x0]  }
0x8f: {  	v6 =	vor.u32 $0x3, v4  }
0x90: {  	v2 =	vld.idx.msk [tilespmem:v2+s20+$0x0], $0xffff  }
0x91: {  	v7 =	vor.u32 $0x4, v4  }
0x92: {  	v1 =	vld.idx.msk [tilespmem:v1+s20+$0x0], $0xffff  }
0x93: {  	v61 =	vor.u32 $0x5, v4;
	v3 =	vadd.f32 v3, v5  }
0x94: {  	v5 =	vld.idx.msk [tilespmem:v6+s20+$0x0], $0xffff  }
0x95: {  	v6 =	vor.u32 $0x6, v4;
	v2 =	vadd.f32 v2, v3  }
0x96: {  	v3 =	vld.idx.msk [tilespmem:v7+s20+$0x0], $0xffff  }
0x97: {  	v7 =	vor.u32 $0x7, v4;
	v1 =	vadd.f32 v1, v2  }
0x98: {  	v2 =	vld.idx.msk [tilespmem:v61+s20+$0x0], $0xffff  }
0x99: {  	v62 =	vor.u32 $0x8, v4;
	v1 =	vadd.f32 v5, v1  }
0x9a: {  	v5 =	vld.idx.msk [tilespmem:v6+s20+$0x0], $0xffff  }
0x9b: {  	v6 =	vor.u32 $0x9, v4;
	v1 =	vadd.f32 v3, v1  }
0x9c: {  	v3 =	vld.idx.msk [tilespmem:v7+s20+$0x0], $0xffff  }
0x9d: {  	v7 =	vor.u32 $0xA, v4;
	v1 =	vadd.f32 v2, v1  }
0x9e: {  	v2 =	vld.idx.msk [tilespmem:v62+s20+$0x0], $0xffff  }
0x9f: {  	v63 =	vor.u32 $0xB, v4;
	v1 =	vadd.f32 v5, v1  }
0xa0: {  	v5 =	vld.idx.msk [tilespmem:v6+s20+$0x0], $0xffff  }
0xa1: {  	v6 =	vor.u32 $0xC, v4;
	v1 =	vadd.f32 v3, v1  }
0xa2: {  	v3 =	vld.idx.msk [tilespmem:v7+s20+$0x0], $0xffff  }
0xa3: {  	v1 =	vadd.f32 v2, v1  }
0xa4: {  	v7 =	vor.u32 $0xD, v4;
	v2 =	vld.idx.msk [tilespmem:v63+s20+$0x0], $0xffff  }
0xa5: {  	v1 =	vadd.f32 v5, v1  }
0xa6: {  	v5 =	vld.idx.msk [tilespmem:v6+s20+$0x0], $0xffff;
	v6 =	vor.u32 $0xE, v4  }
0xa7: {  	v1 =	vadd.f32 v3, v1  }
0xa8: {  	v3 =	vor.u32 $0xF, v4  }
0xa9: {  	v7 =	vld.idx.msk [tilespmem:v7+s20+$0x0], $0xffff;
	v1 =	vadd.f32 v2, v1;
	_ =	sdelay $0x1  }
0xaa: {  	v5 =	vadd.f32 v5, v1;
	v1 =	vld.idx.msk [tilespmem:v6+s20+$0x0], $0xffff;
	_ =	sdelay $0x1  }
0xab: {  	s29 =	simm.s32 $0x20;
	v2 =	vld.idx.msk [tilespmem:v3+s20+$0x0], $0xffff  }
0xac: {  	v4 =	vmov s29;
	s29 =	simm.s32 $0x30;
	v3 =	vadd.f32 v7, v5  }
.LBB2_4:
0xad: {  	p0 =	sne.s32 s29, $0x70;
	v4 =	vshll.u32 v4, $0x7  }
0xae: {  	v4 =	vor.u32 v0, v4;
	v1 =	vadd.f32 v1, v3;
	_ =	sdelay $0x1  }
0xaf: {  	v3 =	vor.u32 $0x1, v4;
	v1 =	vadd.f32 v2, v1  }
0xb0: {  	s26 =	sadd.s32 $0x10, s26  }
0xb1: {  	v2 =	vor.u32 $0x2, v4;
	[tilespmem:s26+$0x0] =	vst v1  }
0xb2: {  	s28 =	sadd.s32 $0x10, s28;
	v1 =	vld.idx.msk [tilespmem:v4+s20+$0x0], $0xffff  }
0xb3: {  	v6 =	vor.u32 $0x3, v4;
	v5 =	vld [tilespmem:s28+$0x0]  }
0xb4: {  	v3 =	vld.idx.msk [tilespmem:v3+s20+$0x0], $0xffff  }
0xb5: {  	v7 =	vor.u32 $0x4, v4  }
0xb6: {  	v2 =	vld.idx.msk [tilespmem:v2+s20+$0x0], $0xffff  }
0xb7: {  	v8 =	vor.u32 $0x5, v4  }
0xb8: {  	v1 =	vadd.f32 v1, v5;
	v5 =	vld.idx.msk [tilespmem:v6+s20+$0x0], $0xffff  }
0xb9: {  	v6 =	vor.u32 $0x6, v4  }
0xba: {  	v1 =	vadd.f32 v3, v1;
	v3 =	vld.idx.msk [tilespmem:v7+s20+$0x0], $0xffff  }
0xbb: {  	v7 =	vor.u32 $0x7, v4  }
0xbc: {  	v1 =	vadd.f32 v2, v1;
	v2 =	vld.idx.msk [tilespmem:v8+s20+$0x0], $0xffff  }
0xbd: {  	v8 =	vor.u32 $0x8, v4  }
0xbe: {  	v1 =	vadd.f32 v5, v1;
	v5 =	vld.idx.msk [tilespmem:v6+s20+$0x0], $0xffff  }
0xbf: {  	v6 =	vor.u32 $0x9, v4  }
0xc0: {  	v1 =	vadd.f32 v3, v1;
	v3 =	vld.idx.msk [tilespmem:v7+s20+$0x0], $0xffff  }
0xc1: {  	v7 =	vor.u32 $0xA, v4  }
0xc2: {  	v1 =	vadd.f32 v2, v1;
	v2 =	vld.idx.msk [tilespmem:v8+s20+$0x0], $0xffff  }
0xc3: {  	v8 =	vor.u32 $0xB, v4  }
0xc4: {  	v1 =	vadd.f32 v5, v1;
	v5 =	vld.idx.msk [tilespmem:v6+s20+$0x0], $0xffff  }
0xc5: {  	v6 =	vor.u32 $0xC, v4  }
0xc6: {  	v1 =	vadd.f32 v3, v1;
	v3 =	vld.idx.msk [tilespmem:v7+s20+$0x0], $0xffff  }
0xc7: {  	v7 =	vor.u32 $0xD, v4  }
0xc8: {  	v1 =	vadd.f32 v2, v1;
	v2 =	vld.idx.msk [tilespmem:v8+s20+$0x0], $0xffff  }
0xc9: {  	v8 =	vor.u32 $0xE, v4  }
0xca: {  	v1 =	vadd.f32 v5, v1;
	v5 =	vld.idx.msk [tilespmem:v6+s20+$0x0], $0xffff  }
0xcb: {  	v4 =	vor.u32 $0xF, v4  }
0xcc: {  	v1 =	vadd.f32 v3, v1;
	v3 =	vld.idx.msk [tilespmem:v7+s20+$0x0], $0xffff;
	_ =	sdelay $0x1  }
.Ltmp1:
0xcd: {  	v2 =	vadd.f32 v2, v1;
	v1 =	vld.idx.msk [tilespmem:v8+s20+$0x0], $0xffff;
	(pc) =	sbr.rel @p0 .LBB2_4-.Ltmp1, $3  }
0xce: {  	_ = 	snop  }
0xcf: {  	v5 =	vadd.f32 v5, v2;
	v2 =	vld.idx.msk [tilespmem:v4+s20+$0x0], $0xffff;
	_ =	sdelay $0x1  }
0xd0: {  	v4 =	vmov s29;
	s29 =	sadd.s32 $0x10, s29;
	v3 =	vadd.f32 v3, v5  }
0xd1: {  	v4 =	vshll.u32 v4, $0x7  }
0xd2: {  	v4 =	vor.u32 v0, v4;
	v1 =	vadd.f32 v1, v3;
	_ =	sdelay $0x1  }
0xd3: {  	v1 =	vadd.f32 v2, v1  }
0xd4: {  	s26 =	sadd.s32 $0x10, s26;
	v2 =	vor.u32 $0x1, v4  }
0xd5: {  	[tilespmem:s26+$0x0] =	vst v1  }
0xd6: {  	s28 =	sadd.s32 $0x10, s28;
	v1 =	vor.u32 $0x2, v4;
	v3 =	vld.idx.msk [tilespmem:v4+s20+$0x0], $0xffff  }
0xd7: {  	v5 =	vld [tilespmem:s28+$0x0]  }
0xd8: {  	v6 =	vor.u32 $0x3, v4  }
0xd9: {  	v2 =	vld.idx.msk [tilespmem:v2+s20+$0x0], $0xffff  }
0xda: {  	v7 =	vor.u32 $0x4, v4  }
0xdb: {  	v1 =	vld.idx.msk [tilespmem:v1+s20+$0x0], $0xffff  }
0xdc: {  	v8 =	vor.u32 $0x5, v4;
	v3 =	vadd.f32 v3, v5  }
0xdd: {  	v51 =	vld.idx.msk [tilespmem:v6+s20+$0x0], $0xffff  }
0xde: {  	v52 =	vor.u32 $0x6, v4;
	v2 =	vadd.f32 v2, v3  }
0xdf: {  	v3 =	vld.idx.msk [tilespmem:v7+s20+$0x0], $0xffff  }
0xe0: {  	v53 =	vor.u32 $0x7, v4;
	v1 =	vadd.f32 v1, v2  }
0xe1: {  	v2 =	vld.idx.msk [tilespmem:v8+s20+$0x0], $0xffff  }
0xe2: {  	v54 =	vor.u32 $0x8, v4;
	v1 =	vadd.f32 v51, v1  }
0xe3: {  	v55 =	vld.idx.msk [tilespmem:v52+s20+$0x0], $0xffff  }
0xe4: {  	v56 =	vor.u32 $0x9, v4;
	v1 =	vadd.f32 v3, v1  }
0xe5: {  	v3 =	vld.idx.msk [tilespmem:v53+s20+$0x0], $0xffff  }
0xe6: {  	v57 =	vor.u32 $0xA, v4;
	v1 =	vadd.f32 v2, v1  }
0xe7: {  	v2 =	vld.idx.msk [tilespmem:v54+s20+$0x0], $0xffff  }
0xe8: {  	v58 =	vor.u32 $0xB, v4;
	v1 =	vadd.f32 v55, v1  }
0xe9: {  	v59 =	vld.idx.msk [tilespmem:v56+s20+$0x0], $0xffff  }
0xea: {  	v60 =	vor.u32 $0xC, v4;
	v1 =	vadd.f32 v3, v1  }
0xeb: {  	v3 =	vld.idx.msk [tilespmem:v57+s20+$0x0], $0xffff  }
0xec: {  	v61 =	vor.u32 $0xD, v4;
	v1 =	vadd.f32 v2, v1  }
0xed: {  	v2 =	vld.idx.msk [tilespmem:v58+s20+$0x0], $0xffff  }
0xee: {  	v62 =	vor.u32 $0xE, v4;
	v1 =	vadd.f32 v59, v1  }
0xef: {  	v63 =	vld.idx.msk [tilespmem:v60+s20+$0x0], $0xffff  }
0xf0: {  	v4 =	vor.u32 $0xF, v4;
	v1 =	vadd.f32 v3, v1  }
0xf1: {  	v3 =	vld.idx.msk [tilespmem:v61+s20+$0x0], $0xffff  }
0xf2: {  	v1 =	vadd.f32 v2, v1  }
0xf3: {  	v2 =	vld.idx.msk [tilespmem:v62+s20+$0x0], $0xffff  }
0xf4: {  	v1 =	vadd.f32 v63, v1  }
0xf5: {  	v4 =	vld.idx.msk [tilespmem:v4+s20+$0x0], $0xffff  }
0xf6: {  	v1 =	vadd.f32 v3, v1;
	_ =	sdelay $0x1  }
0xf7: {  	v1 =	vadd.f32 v2, v1;
	_ =	sdelay $0x1  }
0xf8: {  	v1 =	vadd.f32 v4, v1  }
0xf9: {  	s26 =	sadd.s32 $0x10, s26  }
0xfa: {  	[tilespmem:s26+$0x0] =	vst v1  }
0xfb: {  	[hbm4b:s11+s5] =	stream.linear.scatter [tilespmem:s21], [sflag:$0x6], $0x80, $0x38;
	[tilespmem:$0xC200] =	vst v63  }
0xfc: {  	_ =	swait.ge [sflag:s22], $0x80  }
0xfd: {  	[sflag:s22] =	ssyncset.done $0x0  }
0xfe: {  	[sflag:s22] =	ssyncadd.s32 $0xFFFFFF80  }
0xff: {  	_ =	swait.ge [sflag:s23], $0x4000  }
0x100: {  	[sflag:s23] =	ssyncset.done $0x0  }
0x101: {  	s25 =	sadd.s32 $0x1, s25;
	[sflag:s23] =	ssyncadd.s32 $0xFFFFC000  }
0x102: {  	p0 =	sne.s32 s25, s12;
	_ =	swait.ge [sflag:s24], $0x4000  }
.Ltmp2:
0x103: {  	[sflag:s24] =	ssyncset.done $0x0;
	(pc) =	sbr.rel @p0 .LBB2_1-.Ltmp2, $4  }
0x104: {  	[sflag:s24] =	ssyncadd.s32 $0xFFFFC000  }
0x105: {  	_ =	swait.ge [sflag:s19], $0x80  }
0x106: {  	[sflag:s19] =	ssyncset.done $0x0  }
0x107: {  	[sflag:s19] =	ssyncadd.s32 $0xFFFFFF80  }
0x108: {  	_ =	sfence.sel $0x180000  }
0x109: {  	[bflag:$0x0] =	sbarrier.arrive $0xFFFF  }
0x10a: {  	p0 =	sne.s32 s4, $0x0;
	_ =	strace $0x90000047  }
0x10b: {  	s0 =	sadd.s32 @!p0 $0x100000, s1;
	[bflag:$0x2] =	sbarrier.arrive $0xFFFF  }
0x10c: {  	[sflag:s0] =	ssyncadd.tile.s32 @!p0 $0x1;
	_ =	shalt  }
.Lfunc_end2:
_tile_overlayer_lowered:
.L_overlay_start_2:
0x10d: {  	(tag) =	ssettag $0x2  }
0x10e: {  	s0 =	rddreg [dreg:$0x0];
	s2 =	stileid.u32  }
0x10f: {  	s1 =	rddreg [dreg:$0x1];
	p0 =	sne.s32 s2, $0x0  }
0x110: {  	s3 =	rddreg [dreg:$0x2];
	[bflag:$0x3] =	sbarrier.arrive $0xFFFF;
	s2 =	simm.s32 @!p0 $0x1C06  }
0x111: {  	[timem:s3], [sflag:s2] =	dma.local @!p0 [hbm:s0], s1  }
0x112: {  	s0 =	simm.s32 @!p0 $0x6  }
0x113: {  	_ =	swait.ge @!p0 [sflag:s0], s1  }
0x114: {  	s1 =	ssub.s32 @!p0 $0x0, s1;
	[sflag:s0] =	ssyncset.done @!p0 $0x0  }
0x115: {  	[sflag:s0] =	ssyncadd.s32 @!p0 s1  }
0x116: {  	[bflag:$0x3] =	sbarrier.arrive $0xFFFF  }
0x117: {  	_ =	shalt  }

</sc_bundles>
